<compile_context>
chip_gen: v7x
topology: tpu7x:2x2x1
jax: 0.10.2.dev20260603
libtpu: 0.0.44.dev20260713+nightly
codegen_flags: <defaults>
</compile_context>

<pallas_src>
import functools

import jax
import jax.numpy as jnp
from jax import lax
from jax.experimental import pallas as pl
from jax.experimental.pallas import tpu as pltpu
from jax.experimental.pallas import tpu_sc as plsc




def _argmin_body(x_ref, w_ref, x2_ref, w2_ref, gf_ref, gr_ref,
                 out_ref, tf_ref, tr_ref):
    s = lax.dot_general(
        x_ref[...],
        w_ref[...],
        dimension_numbers=(((1,), (1,)), ((), ())),
        preferred_element_type=jnp.float32,
    )
    d2 = (x2_ref[...] + w2_ref[...]) - 2.0 * s

    ht = d2.shape[1]
    tmin = jnp.min(d2, axis=1, keepdims=True)
    iota = lax.broadcasted_iota(jnp.int32, d2.shape, 1)
    out_ref[...] = jnp.min(jnp.where(d2 == tmin, iota, ht), axis=1)

    def pack_t(g_ref, t_ref):
        o, half = g_ref.shape[0], t_ref.shape[1]
        v = g_ref[...]
        if 2 * half != o:
            v = jnp.concatenate(
                [v, jnp.zeros((2 * half - o, v.shape[1]), v.dtype)], axis=0
            )
        vb = v.astype(jnp.bfloat16)
        au = lax.bitcast_convert_type(vb[:half, :], jnp.uint16)
        bu = lax.bitcast_convert_type(vb[half:, :], jnp.uint16)
        p = au.astype(jnp.uint32) | (bu.astype(jnp.uint32) << 16)
        t_ref[...] = lax.bitcast_convert_type(p, jnp.int32).T

    pack_t(gf_ref, tf_ref)
    pack_t(gr_ref, tr_ref)


def _tc_winners_and_tables(x, w, x2, w2, G_fwd, G_rev, o_pad, bt=256):
    b, d = x.shape
    hh = w.shape[0]
    o = G_fwd.shape[0]
    dr = G_rev.shape[0]
    nb = b // bt
    st = hh // nb
    outs = pl.pallas_call(
        _argmin_body,
        grid=(nb,),
        in_specs=[
            pl.BlockSpec((bt, d), lambda i: (i, 0)),
            pl.BlockSpec((hh, d), lambda i: (0, 0)),
            pl.BlockSpec((bt, 1), lambda i: (i, 0)),
            pl.BlockSpec((1, hh), lambda i: (0, 0)),
            pl.BlockSpec((o, st), lambda i: (0, i)),
            pl.BlockSpec((dr, st), lambda i: (0, i)),
        ],
        out_specs=[
            pl.BlockSpec((bt,), lambda i: (i,)),
            pl.BlockSpec((st, o_pad // 2), lambda i: (i, 0)),
            pl.BlockSpec((st, dr // 2), lambda i: (i, 0)),
        ],
        out_shape=[
            jax.ShapeDtypeStruct((b,), jnp.int32),
            jax.ShapeDtypeStruct((hh, o_pad // 2), jnp.int32),
            jax.ShapeDtypeStruct((hh, dr // 2), jnp.int32),
        ],
    )(x, w, x2, w2, G_fwd, G_rev)
    return outs



_NC, _NS = 2, 16
_NW = _NC * _NS


def _sc_gather_pair(tab_f, tab_r, idx, o):
    b = idx.shape[0]
    df = tab_f.shape[1]
    dr = tab_r.shape[1]
    b_per_w = b // _NW
    cf = 32
    n_chunks = b_per_w // cf
    mesh = plsc.VectorSubcoreMesh(core_axis_name="c", subcore_axis_name="s")

    @functools.partial(
        pl.kernel,
        mesh=mesh,
        out_type=[
            jax.ShapeDtypeStruct((b, df), jnp.int32),
            jax.ShapeDtypeStruct((b, dr), jnp.int32),
        ],
        scratch_types=[
            pltpu.VMEM((b_per_w,), jnp.int32),
            pltpu.VMEM((cf, df), jnp.int32),
            pltpu.VMEM((cf, df), jnp.int32),
            pltpu.VMEM((b_per_w, dr), jnp.int32),
            pltpu.SemaphoreType.DMA,
            pltpu.SemaphoreType.DMA,
            pltpu.SemaphoreType.DMA,
        ],
    )
    def k(tf_hbm, tr_hbm, idx_hbm, of_hbm, or_hbm,
          idx_v, rf0_v, rf1_v, rr_v, sem0, sem1, sem2):
        wid = lax.axis_index("s") * _NC + lax.axis_index("c")
        base = wid * b_per_w
        pltpu.sync_copy(idx_hbm.at[pl.ds(base, b_per_w)], idx_v)
        rcp = pltpu.async_copy(tr_hbm.at[idx_v], rr_v, sem2)
        bufs = (rf0_v, rf1_v)
        sems = (sem0, sem1)
        cps = [None, None]
        cps[0] = pltpu.async_copy(
            tf_hbm.at[idx_v.at[pl.ds(0, cf)]], bufs[0], sems[0]
        )
        for c in range(n_chunks):
            nxt = (c + 1) % 2
            if c + 1 < n_chunks:
                cps[nxt] = pltpu.async_copy(
                    tf_hbm.at[idx_v.at[pl.ds((c + 1) * cf, cf)]],
                    bufs[nxt],
                    sems[nxt],
                )
            cps[c % 2].wait()
            pltpu.sync_copy(bufs[c % 2], of_hbm.at[pl.ds(base + c * cf, cf)])
        rcp.wait()
        pltpu.sync_copy(rr_v, or_hbm.at[pl.ds(base, b_per_w)])

    return k(tab_f, tab_r, idx)




def kernel(x, kohonen_weights, G_fwd, G_rev):
    x = x.reshape(x.shape[0], -1)
    b = x.shape[0]
    o = G_fwd.shape[0]

    o_pad = ((o + 127) // 128) * 128
    x2 = jnp.sum(x * x, axis=1, keepdims=True)
    w2 = jnp.sum(kohonen_weights * kohonen_weights, axis=1)[None, :]

    winners, tab_f, tab_r = _tc_winners_and_tables(
        x, kohonen_weights, x2, w2, G_fwd, G_rev, o_pad
    )
    out_f, out_r = _sc_gather_pair(tab_f, tab_r, winners, o)

    def unpack(u):
        e0 = lax.bitcast_convert_type(u << 16, jnp.float32)
        e1 = lax.bitcast_convert_type(u & jnp.int32(-65536), jnp.float32)
        return jnp.concatenate([e0, e1], axis=1)

    output = unpack(out_f)[:, :o]
    recos = unpack(out_r)
    return (output, recos, winners)

# --- scband reference (transcript-rebuilt; emitter-appended) ---
"""Pipeline reference for scband-full-cpnn-51539607553070 (READ-ONLY COPY).

The authoritative reference and input builder live on the scoring server;
editing this copy changes nothing except your own understanding.
"""

import jax, jax.numpy as jnp
import numpy as np


def _l2norm_rows(w):
    n = jnp.linalg.norm(w, ord=2, axis=1, keepdims=True)
    return w / jnp.clip(n, 1e-12)


def setup_inputs(seed: int = 0) -> dict:
    key = jax.random.key(seed)
    k1, k2, k3, k4 = jax.random.split(key, 4)
    B, D, H, O = 4096, 256, 8192, 1000
    x = jax.random.normal(k1, (B, D), dtype=jnp.float32)
    kohonen_weights = _l2norm_rows(jax.random.normal(k2, (H, D), dtype=jnp.float32))
    G_fwd = _l2norm_rows(jax.random.normal(k3, (O, H), dtype=jnp.float32))
    G_rev = _l2norm_rows(jax.random.normal(k4, (D, H), dtype=jnp.float32))
    return {"x": x, "kohonen_weights": kohonen_weights, "G_fwd": G_fwd, "G_rev": G_rev}


def reference(x, kohonen_weights, G_fwd, G_rev):
    # flatten
    x = x.reshape(x.shape[0], -1)
    # torch.cdist(x, kohonen_weights): Euclidean distances [B, H]
    x2 = jnp.sum(x * x, axis=1, keepdims=True)
    w2 = jnp.sum(kohonen_weights * kohonen_weights, axis=1)[None, :]
    d2 = x2 + w2 - 2.0 * (x @ kohonen_weights.T)
    distances = jnp.sqrt(jnp.clip(d2, 0.0))
    winners = jnp.argmin(distances, axis=1)
    H = kohonen_weights.shape[0]
    winner_one_hot = jax.nn.one_hot(winners, H, dtype=x.dtype)
    output = winner_one_hot @ G_fwd.T
    recos = winner_one_hot @ G_rev.T
    return (output, recos, winners)

if __name__ == "__main__":
    import jax
    _d = setup_inputs()
    print(jax.jit(kernel)(*tuple(_d.values())))

</pallas_src>

<mosaic_0001>
#map = affine_map<(d0, d1) -> (0, 0)>
#map1 = affine_map<(d0, d1) -> (0)>
module attributes {stable_mosaic.version = 14 : i64} {
  func.func @k(%arg0: i32, %arg1: i32, %arg2: memref<8192x512xi32, #tpu.memory_space<hbm>>, %arg3: memref<8192x128xi32, #tpu.memory_space<hbm>>, %arg4: memref<4096xi32, #tpu.memory_space<hbm>>, %arg5: memref<4096x512xi32, #tpu.memory_space<hbm>>, %arg6: memref<4096x128xi32, #tpu.memory_space<hbm>>, %arg7: memref<128xi32, #tpu.memory_space<vmem>>, %arg8: memref<32x512xi32, #tpu.memory_space<vmem>>, %arg9: memref<32x512xi32, #tpu.memory_space<vmem>>, %arg10: memref<128x128xi32, #tpu.memory_space<vmem>>, %arg11: memref<!tpu.dma_semaphore, #tpu.memory_space<semaphore_mem>>, %arg12: memref<!tpu.dma_semaphore, #tpu.memory_space<semaphore_mem>>, %arg13: memref<!tpu.dma_semaphore, #tpu.memory_space<semaphore_mem>>) attributes {dimension_semantics = [#tpu.dimension_semantics<core_parallel>, #tpu.dimension_semantics<subcore_parallel>], iteration_bounds = array<i64: 2, 16>, scalar_prefetch = 0 : i64, scratch_operands = 7 : i64, tpu.core_type = #tpu.core_type<sc_vector_subcore>, window_params = [{transform_indices = #map}, {transform_indices = #map}, {transform_indices = #map1}, {transform_indices = #map}, {transform_indices = #map}]} {
    %mul3A = arith.constant 2 : i32
    %mul3A_0 = arith.muli %arg1, %mul3A : i32
    %add3A = arith.addi %mul3A_0, %arg0 : i32
    %mul3A_1 = arith.constant 128 : i32
    %mul3A_2 = arith.muli %add3A, %mul3A_1 : i32
    "tpu.region"() ({
      %run_scoped3A = tpu.sem_alloc : memref<!tpu.dma_semaphore, #tpu.memory_space<semaphore_mem>>
      %dma_start3A_55 = tpu.memref_slice %arg4[%mul3A_2] : memref<4096xi32, #tpu.memory_space<hbm>> -> memref<128xi32, #tpu.memory_space<hbm>>
      %dma_start3A_56 = tpu.memref_slice %arg4[%mul3A_2] : memref<4096xi32, #tpu.memory_space<hbm>> -> memref<128xi32, #tpu.memory_space<hbm>>
      tpu.enqueue_dma source(%dma_start3A_56 : memref<128xi32, #tpu.memory_space<hbm>>) target(%arg7 : memref<128xi32, #tpu.memory_space<vmem>>) target_semaphore(%run_scoped3A : memref<!tpu.dma_semaphore, #tpu.memory_space<semaphore_mem>>)
      %dma_wait3A_57 = tpu.memref_slice %arg4[%mul3A_2] : memref<4096xi32, #tpu.memory_space<hbm>> -> memref<128xi32, #tpu.memory_space<hbm>>
      %dma_wait3A_58 = tpu.memref_slice %arg4[%mul3A_2] : memref<4096xi32, #tpu.memory_space<hbm>> -> memref<128xi32, #tpu.memory_space<hbm>>
      tpu.wait_dma2 semaphore(%run_scoped3A : memref<!tpu.dma_semaphore, #tpu.memory_space<semaphore_mem>>) src(%dma_wait3A_58 : memref<128xi32, #tpu.memory_space<hbm>>) dst(%arg7 : memref<128xi32, #tpu.memory_space<vmem>>)
      tpu.yield
    }) : () -> ()
    %dma_start3A = arith.constant 0 : i32
    %dma_start3A_3 = arith.constant 0 : i32
    %dma_start3A_4 = tpu.memref_slice %arg3[%dma_start3A, %dma_start3A_3] : memref<8192x128xi32, #tpu.memory_space<hbm>> -> memref<8192x128xi32, #tpu.memory_space<hbm>>
    tpu.enqueue_indirect_dma source(%dma_start3A_4 : memref<8192x128xi32, #tpu.memory_space<hbm>>) target(%arg10 : memref<128x128xi32, #tpu.memory_space<vmem>>) offsets(%arg7 : memref<128xi32, #tpu.memory_space<vmem>>) semaphore(%arg13 : memref<!tpu.dma_semaphore, #tpu.memory_space<semaphore_mem>>)
    %dma_start3A_5 = arith.constant 0 : i32
    %dma_start3A_6 = tpu.memref_slice %arg7[%dma_start3A_5] : memref<128xi32, #tpu.memory_space<vmem>> -> memref<32xi32, #tpu.memory_space<vmem>>
    %dma_start3A_7 = arith.constant 0 : i32
    %dma_start3A_8 = arith.constant 0 : i32
    %dma_start3A_9 = tpu.memref_slice %arg2[%dma_start3A_7, %dma_start3A_8] : memref<8192x512xi32, #tpu.memory_space<hbm>> -> memref<8192x512xi32, #tpu.memory_space<hbm>>
    tpu.enqueue_indirect_dma source(%dma_start3A_9 : memref<8192x512xi32, #tpu.memory_space<hbm>>) target(%arg8 : memref<32x512xi32, #tpu.memory_space<vmem>>) offsets(%dma_start3A_6 : memref<32xi32, #tpu.memory_space<vmem>>) semaphore(%arg11 : memref<!tpu.dma_semaphore, #tpu.memory_space<semaphore_mem>>)
    %dma_start3A_10 = arith.constant 32 : i32
    %dma_start3A_11 = tpu.memref_slice %arg7[%dma_start3A_10] : memref<128xi32, #tpu.memory_space<vmem>> -> memref<32xi32, #tpu.memory_space<vmem>>
    %dma_start3A_12 = arith.constant 0 : i32
    %dma_start3A_13 = arith.constant 0 : i32
    %dma_start3A_14 = tpu.memref_slice %arg2[%dma_start3A_12, %dma_start3A_13] : memref<8192x512xi32, #tpu.memory_space<hbm>> -> memref<8192x512xi32, #tpu.memory_space<hbm>>
    tpu.enqueue_indirect_dma source(%dma_start3A_14 : memref<8192x512xi32, #tpu.memory_space<hbm>>) target(%arg9 : memref<32x512xi32, #tpu.memory_space<vmem>>) offsets(%dma_start3A_11 : memref<32xi32, #tpu.memory_space<vmem>>) semaphore(%arg12 : memref<!tpu.dma_semaphore, #tpu.memory_space<semaphore_mem>>)
    %dma_wait3A = arith.constant 0 : i32
    %dma_wait3A_15 = tpu.memref_slice %arg7[%dma_wait3A] : memref<128xi32, #tpu.memory_space<vmem>> -> memref<32xi32, #tpu.memory_space<vmem>>
    %dma_wait3A_16 = arith.constant 0 : i32
    %dma_wait3A_17 = arith.constant 0 : i32
    %dma_wait3A_18 = tpu.memref_slice %arg2[%dma_wait3A_16, %dma_wait3A_17] : memref<8192x512xi32, #tpu.memory_space<hbm>> -> memref<8192x512xi32, #tpu.memory_space<hbm>>
    tpu.wait_indirect_dma semaphore(%arg11 : memref<!tpu.dma_semaphore, #tpu.memory_space<semaphore_mem>>) src(%dma_wait3A_18 : memref<8192x512xi32, #tpu.memory_space<hbm>>) dst(%arg8 : memref<32x512xi32, #tpu.memory_space<vmem>>)
    %add3A_19 = arith.constant 0 : i32
    %add3A_20 = arith.addi %mul3A_2, %add3A_19 : i32
    "tpu.region"() ({
      %run_scoped3A = tpu.sem_alloc : memref<!tpu.dma_semaphore, #tpu.memory_space<semaphore_mem>>
      %dma_start3A_55 = arith.constant 0 : i32
      %dma_start3A_56 = tpu.memref_slice %arg5[%add3A_20, %dma_start3A_55] : memref<4096x512xi32, #tpu.memory_space<hbm>> -> memref<32x512xi32, #tpu.memory_space<hbm>>
      %dma_start3A_57 = arith.constant 0 : i32
      %dma_start3A_58 = tpu.memref_slice %arg5[%add3A_20, %dma_start3A_57] : memref<4096x512xi32, #tpu.memory_space<hbm>> -> memref<32x512xi32, #tpu.memory_space<hbm>>
      tpu.enqueue_dma source(%arg8 : memref<32x512xi32, #tpu.memory_space<vmem>>) target(%dma_start3A_58 : memref<32x512xi32, #tpu.memory_space<hbm>>) target_semaphore(%run_scoped3A : memref<!tpu.dma_semaphore, #tpu.memory_space<semaphore_mem>>)
      %dma_wait3A_59 = arith.constant 0 : i32
      %dma_wait3A_60 = tpu.memref_slice %arg5[%add3A_20, %dma_wait3A_59] : memref<4096x512xi32, #tpu.memory_space<hbm>> -> memref<32x512xi32, #tpu.memory_space<hbm>>
      %dma_wait3A_61 = arith.constant 0 : i32
      %dma_wait3A_62 = tpu.memref_slice %arg5[%add3A_20, %dma_wait3A_61] : memref<4096x512xi32, #tpu.memory_space<hbm>> -> memref<32x512xi32, #tpu.memory_space<hbm>>
      tpu.wait_dma2 semaphore(%run_scoped3A : memref<!tpu.dma_semaphore, #tpu.memory_space<semaphore_mem>>) src(%arg8 : memref<32x512xi32, #tpu.memory_space<vmem>>) dst(%dma_wait3A_62 : memref<32x512xi32, #tpu.memory_space<hbm>>)
      tpu.yield
    }) : () -> ()
    %dma_start3A_21 = arith.constant 64 : i32
    %dma_start3A_22 = tpu.memref_slice %arg7[%dma_start3A_21] : memref<128xi32, #tpu.memory_space<vmem>> -> memref<32xi32, #tpu.memory_space<vmem>>
    %dma_start3A_23 = arith.constant 0 : i32
    %dma_start3A_24 = arith.constant 0 : i32
    %dma_start3A_25 = tpu.memref_slice %arg2[%dma_start3A_23, %dma_start3A_24] : memref<8192x512xi32, #tpu.memory_space<hbm>> -> memref<8192x512xi32, #tpu.memory_space<hbm>>
    tpu.enqueue_indirect_dma source(%dma_start3A_25 : memref<8192x512xi32, #tpu.memory_space<hbm>>) target(%arg8 : memref<32x512xi32, #tpu.memory_space<vmem>>) offsets(%dma_start3A_22 : memref<32xi32, #tpu.memory_space<vmem>>) semaphore(%arg11 : memref<!tpu.dma_semaphore, #tpu.memory_space<semaphore_mem>>)
    %dma_wait3A_26 = arith.constant 32 : i32
    %dma_wait3A_27 = tpu.memref_slice %arg7[%dma_wait3A_26] : memref<128xi32, #tpu.memory_space<vmem>> -> memref<32xi32, #tpu.memory_space<vmem>>
    %dma_wait3A_28 = arith.constant 0 : i32
    %dma_wait3A_29 = arith.constant 0 : i32
    %dma_wait3A_30 = tpu.memref_slice %arg2[%dma_wait3A_28, %dma_wait3A_29] : memref<8192x512xi32, #tpu.memory_space<hbm>> -> memref<8192x512xi32, #tpu.memory_space<hbm>>
    tpu.wait_indirect_dma semaphore(%arg12 : memref<!tpu.dma_semaphore, #tpu.memory_space<semaphore_mem>>) src(%dma_wait3A_30 : memref<8192x512xi32, #tpu.memory_space<hbm>>) dst(%arg9 : memref<32x512xi32, #tpu.memory_space<vmem>>)
    %add3A_31 = arith.constant 32 : i32
    %add3A_32 = arith.addi %mul3A_2, %add3A_31 : i32
    "tpu.region"() ({
      %run_scoped3A = tpu.sem_alloc : memref<!tpu.dma_semaphore, #tpu.memory_space<semaphore_mem>>
      %dma_start3A_55 = arith.constant 0 : i32
      %dma_start3A_56 = tpu.memref_slice %arg5[%add3A_32, %dma_start3A_55] : memref<4096x512xi32, #tpu.memory_space<hbm>> -> memref<32x512xi32, #tpu.memory_space<hbm>>
      %dma_start3A_57 = arith.constant 0 : i32
      %dma_start3A_58 = tpu.memref_slice %arg5[%add3A_32, %dma_start3A_57] : memref<4096x512xi32, #tpu.memory_space<hbm>> -> memref<32x512xi32, #tpu.memory_space<hbm>>
      tpu.enqueue_dma source(%arg9 : memref<32x512xi32, #tpu.memory_space<vmem>>) target(%dma_start3A_58 : memref<32x512xi32, #tpu.memory_space<hbm>>) target_semaphore(%run_scoped3A : memref<!tpu.dma_semaphore, #tpu.memory_space<semaphore_mem>>)
      %dma_wait3A_59 = arith.constant 0 : i32
      %dma_wait3A_60 = tpu.memref_slice %arg5[%add3A_32, %dma_wait3A_59] : memref<4096x512xi32, #tpu.memory_space<hbm>> -> memref<32x512xi32, #tpu.memory_space<hbm>>
      %dma_wait3A_61 = arith.constant 0 : i32
      %dma_wait3A_62 = tpu.memref_slice %arg5[%add3A_32, %dma_wait3A_61] : memref<4096x512xi32, #tpu.memory_space<hbm>> -> memref<32x512xi32, #tpu.memory_space<hbm>>
      tpu.wait_dma2 semaphore(%run_scoped3A : memref<!tpu.dma_semaphore, #tpu.memory_space<semaphore_mem>>) src(%arg9 : memref<32x512xi32, #tpu.memory_space<vmem>>) dst(%dma_wait3A_62 : memref<32x512xi32, #tpu.memory_space<hbm>>)
      tpu.yield
    }) : () -> ()
    %dma_start3A_33 = arith.constant 96 : i32
    %dma_start3A_34 = tpu.memref_slice %arg7[%dma_start3A_33] : memref<128xi32, #tpu.memory_space<vmem>> -> memref<32xi32, #tpu.memory_space<vmem>>
    %dma_start3A_35 = arith.constant 0 : i32
    %dma_start3A_36 = arith.constant 0 : i32
    %dma_start3A_37 = tpu.memref_slice %arg2[%dma_start3A_35, %dma_start3A_36] : memref<8192x512xi32, #tpu.memory_space<hbm>> -> memref<8192x512xi32, #tpu.memory_space<hbm>>
    tpu.enqueue_indirect_dma source(%dma_start3A_37 : memref<8192x512xi32, #tpu.memory_space<hbm>>) target(%arg9 : memref<32x512xi32, #tpu.memory_space<vmem>>) offsets(%dma_start3A_34 : memref<32xi32, #tpu.memory_space<vmem>>) semaphore(%arg12 : memref<!tpu.dma_semaphore, #tpu.memory_space<semaphore_mem>>)
    %dma_wait3A_38 = arith.constant 64 : i32
    %dma_wait3A_39 = tpu.memref_slice %arg7[%dma_wait3A_38] : memref<128xi32, #tpu.memory_space<vmem>> -> memref<32xi32, #tpu.memory_space<vmem>>
    %dma_wait3A_40 = arith.constant 0 : i32
    %dma_wait3A_41 = arith.constant 0 : i32
    %dma_wait3A_42 = tpu.memref_slice %arg2[%dma_wait3A_40, %dma_wait3A_41] : memref<8192x512xi32, #tpu.memory_space<hbm>> -> memref<8192x512xi32, #tpu.memory_space<hbm>>
    tpu.wait_indirect_dma semaphore(%arg11 : memref<!tpu.dma_semaphore, #tpu.memory_space<semaphore_mem>>) src(%dma_wait3A_42 : memref<8192x512xi32, #tpu.memory_space<hbm>>) dst(%arg8 : memref<32x512xi32, #tpu.memory_space<vmem>>)
    %add3A_43 = arith.constant 64 : i32
    %add3A_44 = arith.addi %mul3A_2, %add3A_43 : i32
    "tpu.region"() ({
      %run_scoped3A = tpu.sem_alloc : memref<!tpu.dma_semaphore, #tpu.memory_space<semaphore_mem>>
      %dma_start3A_55 = arith.constant 0 : i32
      %dma_start3A_56 = tpu.memref_slice %arg5[%add3A_44, %dma_start3A_55] : memref<4096x512xi32, #tpu.memory_space<hbm>> -> memref<32x512xi32, #tpu.memory_space<hbm>>
      %dma_start3A_57 = arith.constant 0 : i32
      %dma_start3A_58 = tpu.memref_slice %arg5[%add3A_44, %dma_start3A_57] : memref<4096x512xi32, #tpu.memory_space<hbm>> -> memref<32x512xi32, #tpu.memory_space<hbm>>
      tpu.enqueue_dma source(%arg8 : memref<32x512xi32, #tpu.memory_space<vmem>>) target(%dma_start3A_58 : memref<32x512xi32, #tpu.memory_space<hbm>>) target_semaphore(%run_scoped3A : memref<!tpu.dma_semaphore, #tpu.memory_space<semaphore_mem>>)
      %dma_wait3A_59 = arith.constant 0 : i32
      %dma_wait3A_60 = tpu.memref_slice %arg5[%add3A_44, %dma_wait3A_59] : memref<4096x512xi32, #tpu.memory_space<hbm>> -> memref<32x512xi32, #tpu.memory_space<hbm>>
      %dma_wait3A_61 = arith.constant 0 : i32
      %dma_wait3A_62 = tpu.memref_slice %arg5[%add3A_44, %dma_wait3A_61] : memref<4096x512xi32, #tpu.memory_space<hbm>> -> memref<32x512xi32, #tpu.memory_space<hbm>>
      tpu.wait_dma2 semaphore(%run_scoped3A : memref<!tpu.dma_semaphore, #tpu.memory_space<semaphore_mem>>) src(%arg8 : memref<32x512xi32, #tpu.memory_space<vmem>>) dst(%dma_wait3A_62 : memref<32x512xi32, #tpu.memory_space<hbm>>)
      tpu.yield
    }) : () -> ()
    %dma_wait3A_45 = arith.constant 96 : i32
    %dma_wait3A_46 = tpu.memref_slice %arg7[%dma_wait3A_45] : memref<128xi32, #tpu.memory_space<vmem>> -> memref<32xi32, #tpu.memory_space<vmem>>
    %dma_wait3A_47 = arith.constant 0 : i32
    %dma_wait3A_48 = arith.constant 0 : i32
    %dma_wait3A_49 = tpu.memref_slice %arg2[%dma_wait3A_47, %dma_wait3A_48] : memref<8192x512xi32, #tpu.memory_space<hbm>> -> memref<8192x512xi32, #tpu.memory_space<hbm>>
    tpu.wait_indirect_dma semaphore(%arg12 : memref<!tpu.dma_semaphore, #tpu.memory_space<semaphore_mem>>) src(%dma_wait3A_49 : memref<8192x512xi32, #tpu.memory_space<hbm>>) dst(%arg9 : memref<32x512xi32, #tpu.memory_space<vmem>>)
    %add3A_50 = arith.constant 96 : i32
    %add3A_51 = arith.addi %mul3A_2, %add3A_50 : i32
    "tpu.region"() ({
      %run_scoped3A = tpu.sem_alloc : memref<!tpu.dma_semaphore, #tpu.memory_space<semaphore_mem>>
      %dma_start3A_55 = arith.constant 0 : i32
      %dma_start3A_56 = tpu.memref_slice %arg5[%add3A_51, %dma_start3A_55] : memref<4096x512xi32, #tpu.memory_space<hbm>> -> memref<32x512xi32, #tpu.memory_space<hbm>>
      %dma_start3A_57 = arith.constant 0 : i32
      %dma_start3A_58 = tpu.memref_slice %arg5[%add3A_51, %dma_start3A_57] : memref<4096x512xi32, #tpu.memory_space<hbm>> -> memref<32x512xi32, #tpu.memory_space<hbm>>
      tpu.enqueue_dma source(%arg9 : memref<32x512xi32, #tpu.memory_space<vmem>>) target(%dma_start3A_58 : memref<32x512xi32, #tpu.memory_space<hbm>>) target_semaphore(%run_scoped3A : memref<!tpu.dma_semaphore, #tpu.memory_space<semaphore_mem>>)
      %dma_wait3A_59 = arith.constant 0 : i32
      %dma_wait3A_60 = tpu.memref_slice %arg5[%add3A_51, %dma_wait3A_59] : memref<4096x512xi32, #tpu.memory_space<hbm>> -> memref<32x512xi32, #tpu.memory_space<hbm>>
      %dma_wait3A_61 = arith.constant 0 : i32
      %dma_wait3A_62 = tpu.memref_slice %arg5[%add3A_51, %dma_wait3A_61] : memref<4096x512xi32, #tpu.memory_space<hbm>> -> memref<32x512xi32, #tpu.memory_space<hbm>>
      tpu.wait_dma2 semaphore(%run_scoped3A : memref<!tpu.dma_semaphore, #tpu.memory_space<semaphore_mem>>) src(%arg9 : memref<32x512xi32, #tpu.memory_space<vmem>>) dst(%dma_wait3A_62 : memref<32x512xi32, #tpu.memory_space<hbm>>)
      tpu.yield
    }) : () -> ()
    %dma_wait3A_52 = arith.constant 0 : i32
    %dma_wait3A_53 = arith.constant 0 : i32
    %dma_wait3A_54 = tpu.memref_slice %arg3[%dma_wait3A_52, %dma_wait3A_53] : memref<8192x128xi32, #tpu.memory_space<hbm>> -> memref<8192x128xi32, #tpu.memory_space<hbm>>
    tpu.wait_indirect_dma semaphore(%arg13 : memref<!tpu.dma_semaphore, #tpu.memory_space<semaphore_mem>>) src(%dma_wait3A_54 : memref<8192x128xi32, #tpu.memory_space<hbm>>) dst(%arg10 : memref<128x128xi32, #tpu.memory_space<vmem>>)
    "tpu.region"() ({
      %run_scoped3A = tpu.sem_alloc : memref<!tpu.dma_semaphore, #tpu.memory_space<semaphore_mem>>
      %dma_start3A_55 = arith.constant 0 : i32
      %dma_start3A_56 = tpu.memref_slice %arg6[%mul3A_2, %dma_start3A_55] : memref<4096x128xi32, #tpu.memory_space<hbm>> -> memref<128x128xi32, #tpu.memory_space<hbm>>
      %dma_start3A_57 = arith.constant 0 : i32
      %dma_start3A_58 = tpu.memref_slice %arg6[%mul3A_2, %dma_start3A_57] : memref<4096x128xi32, #tpu.memory_space<hbm>> -> memref<128x128xi32, #tpu.memory_space<hbm>>
      tpu.enqueue_dma source(%arg10 : memref<128x128xi32, #tpu.memory_space<vmem>>) target(%dma_start3A_58 : memref<128x128xi32, #tpu.memory_space<hbm>>) target_semaphore(%run_scoped3A : memref<!tpu.dma_semaphore, #tpu.memory_space<semaphore_mem>>)
      %dma_wait3A_59 = arith.constant 0 : i32
      %dma_wait3A_60 = tpu.memref_slice %arg6[%mul3A_2, %dma_wait3A_59] : memref<4096x128xi32, #tpu.memory_space<hbm>> -> memref<128x128xi32, #tpu.memory_space<hbm>>
      %dma_wait3A_61 = arith.constant 0 : i32
      %dma_wait3A_62 = tpu.memref_slice %arg6[%mul3A_2, %dma_wait3A_61] : memref<4096x128xi32, #tpu.memory_space<hbm>> -> memref<128x128xi32, #tpu.memory_space<hbm>>
      tpu.wait_dma2 semaphore(%run_scoped3A : memref<!tpu.dma_semaphore, #tpu.memory_space<semaphore_mem>>) src(%arg10 : memref<128x128xi32, #tpu.memory_space<vmem>>) dst(%dma_wait3A_62 : memref<128x128xi32, #tpu.memory_space<hbm>>)
      tpu.yield
    }) : () -> ()
    return
  }
}

module attributes {stable_mosaic.version = 14 : i64} {
  func.func @_argmin_body(%arg0: i32, %arg1: memref<256x256xf32, #tpu.memory_space<vmem>>, %arg2: memref<8192x256xf32, #tpu.memory_space<vmem>>, %arg3: memref<256x1xf32, #tpu.memory_space<vmem>>, %arg4: memref<1x8192xf32, #tpu.memory_space<vmem>>, %arg5: memref<1000x512xf32, #tpu.memory_space<vmem>>, %arg6: memref<256x512xf32, #tpu.memory_space<vmem>>, %arg7: memref<256xi32, #tpu.memory_space<vmem>>, %arg8: memref<512x512xi32, #tpu.memory_space<vmem>>, %arg9: memref<512x128xi32, #tpu.memory_space<vmem>>) attributes {dimension_semantics = [#tpu.dimension_semantics<arbitrary>], iteration_bounds = array<i64: 16>, scalar_prefetch = 0 : i64, scratch_operands = 0 : i64, tpu.core_type = #tpu.core_type<tc>, window_params = [{transform_indices = @transform_0, window_bounds = array<i64: 256, 256>}, {pipeline_mode = #tpu.pipeline_mode<synchronous>, transform_indices = @transform_1, window_bounds = array<i64: 8192, 256>}, {transform_indices = @transform_2, window_bounds = array<i64: 256, 1>}, {pipeline_mode = #tpu.pipeline_mode<synchronous>, transform_indices = @transform_3, window_bounds = array<i64: 1, 8192>}, {transform_indices = @transform_4, window_bounds = array<i64: 1000, 512>}, {transform_indices = @transform_5, window_bounds = array<i64: 256, 512>}, {transform_indices = @transform_6, window_bounds = array<i64: 256>}, {transform_indices = @transform_7, window_bounds = array<i64: 512, 512>}, {transform_indices = @transform_8, window_bounds = array<i64: 512, 128>}]} {
    %get3A = arith.constant 0 : index
    %get3A_0 = arith.constant 0 : index
    %get3A_1 = vector.load %arg1[%get3A, %get3A_0] : memref<256x256xf32, #tpu.memory_space<vmem>>, vector<256x256xf32>
    %get3A_2 = arith.constant 0 : index
    %get3A_3 = arith.constant 0 : index
    %get3A_4 = vector.load %arg2[%get3A_2, %get3A_3] : memref<8192x256xf32, #tpu.memory_space<vmem>>, vector<8192x256xf32>
    %dot_general3A = arith.constant dense<0.000000e+00> : vector<256x8192xf32>
    %dot_general3A_5 = tpu.matmul %get3A_1, %get3A_4, %dot_general3A {dimension_numbers = #tpu.dot_dimension_numbers<[1], [1], [0], [0], [0, 0, 1, 0], [], []>, transpose_lhs_hint = false} : vector<256x256xf32>, vector<8192x256xf32>, vector<256x8192xf32> -> vector<256x8192xf32>
    %get3A_6 = arith.constant 0 : index
    %get3A_7 = arith.constant 0 : index
    %get3A_8 = vector.load %arg3[%get3A_6, %get3A_7] : memref<256x1xf32, #tpu.memory_space<vmem>>, vector<256x1xf32>
    %get3A_9 = arith.constant 0 : index
    %get3A_10 = arith.constant 0 : index
    %get3A_11 = vector.load %arg4[%get3A_9, %get3A_10] : memref<1x8192xf32, #tpu.memory_space<vmem>>, vector<1x8192xf32>
    %add3A = vector.broadcast %get3A_8 : vector<256x1xf32> to vector<256x8192xf32>
    %add3A_12 = vector.broadcast %get3A_11 : vector<1x8192xf32> to vector<256x8192xf32>
    %add3A_13 = arith.addf %add3A, %add3A_12 : vector<256x8192xf32>
    %mul3A = arith.constant 2.000000e+00 : f32
    %mul3A_14 = vector.broadcast %mul3A : f32 to vector<256x8192xf32>
    %mul3A_15 = arith.mulf %mul3A_14, %dot_general3A_5 : vector<256x8192xf32>
    %sub3A = arith.subf %add3A_13, %mul3A_15 : vector<256x8192xf32>
    %reduce_min3A = arith.constant dense<0x7F800000> : vector<256xf32>
    %reduce_min3A_16 = vector.multi_reduction <minimumf>, %sub3A, %reduce_min3A [1] : vector<256x8192xf32> to vector<256xf32>
    %broadcast_in_dim3A = vector.shape_cast %reduce_min3A_16 : vector<256xf32> to vector<256x1xf32>
    %iota3A = tpu.iota {dimensions = array<i32: 1>} : vector<256x8192xi32>
    %eq3A = vector.broadcast %broadcast_in_dim3A : vector<256x1xf32> to vector<256x8192xf32>
    %eq3A_17 = arith.cmpf oeq, %sub3A, %eq3A : vector<256x8192xf32>
    %jit3A = arith.constant 8192 : i32
    %broadcast_in_dim3A_18 = vector.broadcast %jit3A : i32 to vector<256x8192xi32>
    %select_n3A = arith.select %eq3A_17, %iota3A, %broadcast_in_dim3A_18 : vector<256x8192xi1>, vector<256x8192xi32>
    %reduce_min3A_19 = arith.constant dense<2147483647> : vector<256xi32>
    %reduce_min3A_20 = vector.multi_reduction <minsi>, %select_n3A, %reduce_min3A_19 [1] : vector<256x8192xi32> to vector<256xi32>
    %swap3A = arith.constant 0 : index
    %swap3A_21 = vector.load %arg7[%swap3A] : memref<256xi32, #tpu.memory_space<vmem>>, vector<256xi32>
    tpu.vector_store %arg7[%swap3A], %reduce_min3A_20 {strides = array<i32>} : memref<256xi32, #tpu.memory_space<vmem>>, vector<256xi32>,
    %get3A_22 = arith.constant 0 : index
    %get3A_23 = arith.constant 0 : index
    %get3A_24 = vector.load %arg5[%get3A_22, %get3A_23] : memref<1000x512xf32, #tpu.memory_space<vmem>>, vector<1000x512xf32>
    %broadcast_in_dim3A_25 = arith.constant 0.000000e+00 : f32
    %broadcast_in_dim3A_26 = vector.broadcast %broadcast_in_dim3A_25 : f32 to vector<24x512xf32>
    %concatenate3A = tpu.concatenate %get3A_24, %broadcast_in_dim3A_26 in 0 : vector<1000x512xf32>, vector<24x512xf32> -> vector<1024x512xf32>
    %convert_element_type3A = arith.truncf %concatenate3A : vector<1024x512xf32> to vector<1024x512xbf16>
    %slice3A = vector.extract_strided_slice %convert_element_type3A {offsets = [0, 0], sizes = [512, 512], strides = [1, 1]} : vector<1024x512xbf16> to vector<512x512xbf16>
    %bitcast_convert_type3A = tpu.bitcast %slice3A : vector<512x512xbf16> -> vector<512x512xi16>
    %slice3A_27 = vector.extract_strided_slice %convert_element_type3A {offsets = [512, 0], sizes = [512, 512], strides = [1, 1]} : vector<1024x512xbf16> to vector<512x512xbf16>
    %bitcast_convert_type3A_28 = tpu.bitcast %slice3A_27 : vector<512x512xbf16> -> vector<512x512xi16>
    %convert_element_type3A_29 = arith.extui %bitcast_convert_type3A : vector<512x512xi16> to vector<512x512xi32>
    %convert_element_type3A_30 = arith.extui %bitcast_convert_type3A_28 : vector<512x512xi16> to vector<512x512xi32>
    %shift_left3A = arith.constant 16 : i32
    %shift_left3A_31 = vector.broadcast %shift_left3A : i32 to vector<512x512xi32>
    %shift_left3A_32 = arith.shli %convert_element_type3A_30, %shift_left3A_31 : vector<512x512xi32>
    %or3A = arith.ori %convert_element_type3A_29, %shift_left3A_32 : vector<512x512xi32>
    %bitcast_convert_type3A_33 = tpu.bitcast %or3A : vector<512x512xi32> -> vector<512x512xi32>
    %transpose3A = tpu.transpose %bitcast_convert_type3A_33, [1, 0] : vector<512x512xi32> -> vector<512x512xi32>
    %swap3A_34 = arith.constant 0 : index
    %swap3A_35 = arith.constant 0 : index
    %swap3A_36 = vector.load %arg8[%swap3A_34, %swap3A_35] : memref<512x512xi32, #tpu.memory_space<vmem>>, vector<512x512xi32>
    tpu.vector_store %arg8[%swap3A_34, %swap3A_35], %transpose3A {strides = array<i32>} : memref<512x512xi32, #tpu.memory_space<vmem>>, vector<512x512xi32>,
    %get3A_37 = arith.constant 0 : index
    %get3A_38 = arith.constant 0 : index
    %get3A_39 = vector.load %arg6[%get3A_37, %get3A_38] : memref<256x512xf32, #tpu.memory_space<vmem>>, vector<256x512xf32>
    %convert_element_type3A_40 = arith.truncf %get3A_39 : vector<256x512xf32> to vector<256x512xbf16>
    %slice3A_41 = vector.extract_strided_slice %convert_element_type3A_40 {offsets = [0, 0], sizes = [128, 512], strides = [1, 1]} : vector<256x512xbf16> to vector<128x512xbf16>
    %bitcast_convert_type3A_42 = tpu.bitcast %slice3A_41 : vector<128x512xbf16> -> vector<128x512xi16>
    %slice3A_43 = vector.extract_strided_slice %convert_element_type3A_40 {offsets = [128, 0], sizes = [128, 512], strides = [1, 1]} : vector<256x512xbf16> to vector<128x512xbf16>
    %bitcast_convert_type3A_44 = tpu.bitcast %slice3A_43 : vector<128x512xbf16> -> vector<128x512xi16>
    %convert_element_type3A_45 = arith.extui %bitcast_convert_type3A_42 : vector<128x512xi16> to vector<128x512xi32>
    %convert_element_type3A_46 = arith.extui %bitcast_convert_type3A_44 : vector<128x512xi16> to vector<128x512xi32>
    %shift_left3A_47 = arith.constant 16 : i32
    %shift_left3A_48 = vector.broadcast %shift_left3A_47 : i32 to vector<128x512xi32>
    %shift_left3A_49 = arith.shli %convert_element_type3A_46, %shift_left3A_48 : vector<128x512xi32>
    %or3A_50 = arith.ori %convert_element_type3A_45, %shift_left3A_49 : vector<128x512xi32>
    %bitcast_convert_type3A_51 = tpu.bitcast %or3A_50 : vector<128x512xi32> -> vector<128x512xi32>
    %transpose3A_52 = tpu.transpose %bitcast_convert_type3A_51, [1, 0] : vector<128x512xi32> -> vector<512x128xi32>
    %swap3A_53 = arith.constant 0 : index
    %swap3A_54 = arith.constant 0 : index
    %swap3A_55 = vector.load %arg9[%swap3A_53, %swap3A_54] : memref<512x128xi32, #tpu.memory_space<vmem>>, vector<512x128xi32>
    tpu.vector_store %arg9[%swap3A_53, %swap3A_54], %transpose3A_52 {strides = array<i32>} : memref<512x128xi32, #tpu.memory_space<vmem>>, vector<512x128xi32>,
    return
  }
  func.func @transform_0(%arg0: i32) -> (i32, i32) {
    %c0_i32 = arith.constant 0 : i32
    %c0_i32_0 = arith.constant 0 : i32
    return %arg0, %c0_i32 : i32, i32
  }
  func.func @transform_1(%arg0: i32) -> (i32, i32) {
    %c0_i32 = arith.constant 0 : i32
    %c0_i32_0 = arith.constant 0 : i32
    %c0_i32_1 = arith.constant 0 : i32
    return %c0_i32, %c0_i32_0 : i32, i32
  }
  func.func @transform_2(%arg0: i32) -> (i32, i32) {
    %c0_i32 = arith.constant 0 : i32
    %c0_i32_0 = arith.constant 0 : i32
    return %arg0, %c0_i32 : i32, i32
  }
  func.func @transform_3(%arg0: i32) -> (i32, i32) {
    %c0_i32 = arith.constant 0 : i32
    %c0_i32_0 = arith.constant 0 : i32
    %c0_i32_1 = arith.constant 0 : i32
    return %c0_i32, %c0_i32_0 : i32, i32
  }
  func.func @transform_4(%arg0: i32) -> (i32, i32) {
    %c0_i32 = arith.constant 0 : i32
    %c0_i32_0 = arith.constant 0 : i32
    return %c0_i32, %arg0 : i32, i32
  }
  func.func @transform_5(%arg0: i32) -> (i32, i32) {
    %c0_i32 = arith.constant 0 : i32
    %c0_i32_0 = arith.constant 0 : i32
    return %c0_i32, %arg0 : i32, i32
  }
  func.func @transform_6(%arg0: i32) -> i32 {
    %c0_i32 = arith.constant 0 : i32
    return %arg0 : i32
  }
  func.func @transform_7(%arg0: i32) -> (i32, i32) {
    %c0_i32 = arith.constant 0 : i32
    %c0_i32_0 = arith.constant 0 : i32
    return %arg0, %c0_i32 : i32, i32
  }
  func.func @transform_8(%arg0: i32) -> (i32, i32) {
    %c0_i32 = arith.constant 0 : i32
    %c0_i32_0 = arith.constant 0 : i32
    return %arg0, %c0_i32 : i32, i32
  }
}

</mosaic_0001>

<sc_bundles>
// kernel: kernel.4.cloned.1.call-start
scs
__scs_entry_jumppad:
0x0: {  	(pc) =	sbr.rel $0x88, $3  }
0x1: {  	(tag) =	ssettag $0x0;
	lr =	simm.s32 $0x1  }
0x2: {  	[smem:$0x3F9D] =	sst lr;
	_ =	strace $0xD0000000  }
0x3: {  	_ = 	snop  }
0x4: {  	_ = 	snop  }
0x5: {  	_ = 	snop  }
0x6: {  	_ = 	snop  }
0x7: {  	_ = 	snop  }
__scs_overlays_trampoline_lowered:
0x8: {  	[smem:$0x3FAC] =	sst s0  }
0x9: {  	[smem:$0x3FAD] =	sst s1  }
0xa: {  	[smem:$0x3FAE] =	sst s2  }
0xb: {  	[smem:$0x3FAF] =	sst s3  }
0xc: {  	[smem:$0x3FB0] =	sst s4  }
0xd: {  	[smem:$0x3FB1] =	sst s5  }
0xe: {  	[smem:$0x3FB2] =	sst s6  }
0xf: {  	[smem:$0x3FB3] =	sst s7  }
0x10: {  	[smem:$0x3FB4] =	sst s8  }
0x11: {  	[smem:$0x3FB5] =	sst s9;
	s0 =	simm.s32 @!p0 $0x0  }
0x12: {  	s1 =	sld [smem:$0x3F9B];
	s0 =	simm.s32 @p0 $0x1  }
0x13: {  	[smem:$0x3FB6] =	sst s0;
	s0 =	simm.s32 @!p1 $0x0  }
0x14: {  	s2 =	sld [smem:$0x3F9A];
	s0 =	simm.s32 @p1 $0x1  }
0x15: {  	[smem:$0x3FB7] =	sst s0;
	s0 =	simm.s32 @!p2 $0x0  }
0x16: {  	s3 =	sld [smem:$0x3FDB];
	s0 =	simm.s32 @p2 $0x1  }
0x17: {  	s4 =	simm.s32 $0x1BF5;
	[smem:$0x3FB9] =	sst s0  }
0x18: {  	s0 =	sld [smem:$0x3F9C];
	_ =	swait.ge [sflag:s4], $0x0  }
0x19: {  	s7 =	sld [smem:$0x3F9D]  }
0x1a: {  	s8 =	sadd.s32 $0xFFFFE003, lr  }
0x1b: {  	s9 =	sadd.s32 $0xFFFFFEF7, lr;
	s5 =	simm.s32 $0xFFFFFFFF;
	p2 =	slt.u32 s8, $0xFFFFF086  }
0x1c: {  	p1 =	slt.u32 s9, $0xF7A;
	s5 =	simm.s32 @!p2 $0x0  }
0x1d: {  	s5 =	simm.s32 @p1 $0x1;
	p0 =	seq.s32 s7, s2  }
0x1e: {  	s7 =	smul.u32 @!p0 $0xF7A, s2;
	p2 =	seq.s32 @!p0 s5, $0x0  }
0x1f: {  	s9 =	smul.u32 $0xF7A, s1;
	s8 =	simm.s32 @!p0 $0x1BF5;
	p2 =	por !p2, p0  }
0x20: {  	[sflag:s8] =	ssyncset.s32 @!p0 $0xFFFFF086;
	s6 =	sadd.s32 @!p0 s3, s7;
	s7 =	simm.s32 @!p0 $0x108  }
0x21: {  	s3 =	sadd.s32 s3, s9;
	s6 =	sadd.s32 @!p0 $0x88, s6;
	s7 =	simm.s32 @p2 $0x1082  }
0x22: {  	[simem:s7], [sflag:s8] =	dma.local @!p0 [hbm:s6], $0xF7A  }
0x23: {  	s9 =	sor.u32 $0xD0000000, s2;
	s6 =	simm.s32 $0x108;
	_ =	swait.ge @!p0 [sflag:s8], $0x0  }
0x24: {  	s3 =	sadd.s32 $0x88, s3;
	s6 =	simm.s32 @!p1 $0x1082;
	[sflag:s4] =	ssyncset.s32 $0xFFFFF086  }
0x25: {  	[simem:s6], [sflag:s4] =	dma.local [hbm:s3], $0xF7A  }
0x26: {  	[smem:$0x3F9D] =	sst s1;
	(tag) =	ssettag s2;
	_ =	strace s9  }
0x27: {  	s1 =	sld [smem:$0x3FAD]  }
0x28: {  	s2 =	sld [smem:$0x3FAE]  }
0x29: {  	s4 =	sld [smem:$0x3FB0]  }
0x2a: {  	p0 =	seq.s32 s5, $0x0;
	s5 =	sld [smem:$0x3FB1]  }
0x2b: {  	s6 =	sld [smem:$0x3FB2]  }
0x2c: {  	s7 =	sld [smem:$0x3FB3]  }
0x2d: {  	s3 =	simm.s32 $0x108;
	s8 =	sld [smem:$0x3FB4]  }
0x2e: {  	s3 =	simm.s32 @!p0 $0x1082;
	s9 =	sld [smem:$0x3FB5]  }
0x2f: {  	lr =	sadd.s32 s0, s3;
	s0 =	sld [smem:$0x3FAC]  }
0x30: {  	s3 =	sld [smem:$0x3FAF]  }
0x31: {  	[smem:$0x3FB8] =	sst s10  }
0x32: {  	s10 =	sld [smem:$0x3FB6];
	_ =	sdelay $0x3  }
0x33: {  	p0 =	seq.s32 s10, $0x1;
	s10 =	sld [smem:$0x3FB8];
	_ =	sdelay $0x3  }
0x34: {  	[smem:$0x3FB8] =	sst s10  }
0x35: {  	s10 =	sld [smem:$0x3FB7];
	_ =	sdelay $0x3  }
0x36: {  	p1 =	seq.s32 s10, $0x1;
	s10 =	sld [smem:$0x3FB8];
	_ =	sdelay $0x3  }
0x37: {  	[smem:$0x3FB8] =	sst s10  }
0x38: {  	s10 =	sld [smem:$0x3FB9]  }
0x39: {  	_ = 	snop;
	(pc) =	sbr.ind lr, $3  }
0x3a: {  	_ = 	snop  }
0x3b: {  	_ = 	snop  }
0x3c: {  	p2 =	seq.s32 s10, $0x1;
	s10 =	sld [smem:$0x3FB8]  }
0x3d: {  	_ =	shalt  }
0x3e: {  	_ =	shalt  }
0x3f: {  	_ =	shalt  }
0x40: {  	_ =	shalt  }
0x41: {  	_ =	shalt  }
0x42: {  	_ =	shalt  }
0x43: {  	_ =	shalt  }
0x44: {  	_ =	shalt  }
0x45: {  	_ =	shalt  }
0x46: {  	_ =	shalt  }
0x47: {  	_ =	shalt  }
0x48: {  	_ =	shalt  }
0x49: {  	_ =	shalt  }
0x4a: {  	_ =	shalt  }
0x4b: {  	_ =	shalt  }
0x4c: {  	_ =	shalt  }
0x4d: {  	_ =	shalt  }
0x4e: {  	_ =	shalt  }
0x4f: {  	_ =	shalt  }
0x50: {  	_ =	shalt  }
0x51: {  	_ =	shalt  }
0x52: {  	_ =	shalt  }
0x53: {  	_ =	shalt  }
0x54: {  	_ =	shalt  }
0x55: {  	_ =	shalt  }
0x56: {  	_ =	shalt  }
0x57: {  	_ =	shalt  }
0x58: {  	_ =	shalt  }
0x59: {  	_ =	shalt  }
0x5a: {  	_ =	shalt  }
0x5b: {  	_ =	shalt  }
0x5c: {  	_ =	shalt  }
0x5d: {  	_ =	shalt  }
0x5e: {  	_ =	shalt  }
0x5f: {  	_ =	shalt  }
0x60: {  	_ =	shalt  }
0x61: {  	_ =	shalt  }
0x62: {  	_ =	shalt  }
0x63: {  	_ =	shalt  }
0x64: {  	_ =	shalt  }
0x65: {  	_ =	shalt  }
0x66: {  	_ =	shalt  }
0x67: {  	_ =	shalt  }
0x68: {  	_ =	shalt  }
0x69: {  	_ =	shalt  }
0x6a: {  	_ =	shalt  }
0x6b: {  	_ =	shalt  }
0x6c: {  	_ =	shalt  }
0x6d: {  	_ =	shalt  }
0x6e: {  	_ =	shalt  }
0x6f: {  	_ =	shalt  }
0x70: {  	_ =	shalt  }
0x71: {  	_ =	shalt  }
0x72: {  	_ =	shalt  }
0x73: {  	_ =	shalt  }
0x74: {  	_ =	shalt  }
0x75: {  	_ =	shalt  }
0x76: {  	_ =	shalt  }
0x77: {  	_ =	shalt  }
0x78: {  	_ =	shalt  }
0x79: {  	_ =	shalt  }
0x7a: {  	_ =	shalt  }
0x7b: {  	_ =	shalt  }
0x7c: {  	_ =	shalt  }
0x7d: {  	_ =	shalt  }
0x7e: {  	_ =	shalt  }
0x7f: {  	_ =	shalt  }
0x80: {  	_ =	shalt  }
0x81: {  	_ =	shalt  }
0x82: {  	_ =	shalt  }
0x83: {  	_ =	shalt  }
0x84: {  	_ =	shalt  }
0x85: {  	_ =	shalt  }
0x86: {  	_ =	shalt  }
0x87: {  	_ =	shalt  }
.Lfunc_end0:
.L_simem_size_0:
called_computation_lowered:
.L_overlay_start_0:
0x88: {  	s2 =	sld [smem:$0x3FD9]  }
0x89: {  	s3 =	sld [smem:$0x3FFE];
	_ =	sdelay $0x1  }
0x8a: {  	s1 =	srdreg.scid  }
0x8b: {  	s0 =	sand.u32 $0x1, s1  }
0x8c: {  	s14 =	sshll.u32 s0, $0xA;
	s2 =	sadd.s32 s3, s2  }
0x8d: {  	s2 =	sadd.s32 s2, s14  }
0x8e: {  	[smem:$0x3FC4] =	sst s2  }
0x8f: {  	_ = 	snop  }
0x90: {  	s2 =	sld [smem:$0x3FD0];
	_ =	sdelay $0x2  }
0x91: {  	s15 =	simm.s32 $0xA;
	s4 =	simm.s32 $0x10  }
0x92: {  	[smem:s4], [sflag:s15] =	dma.local [hbm:s2], $0x1  }
0x93: {  	_ =	swait.eq [sflag:s15], $0x1  }
0x94: {  	s16 =	sld [smem:$0x10];
	[sflag:s15] =	ssyncset.done $0x0  }
0x95: {  	s17 =	sld [smem:$0x11];
	[sflag:s15] =	ssyncadd.s32 $0xFFFFFFFF  }
0x96: {  	s18 =	sld [smem:$0x12];
	(tm) =	ssettm $0x1  }
0x97: {  	s5 =	sld [smem:$0x3FFB];
	_ =	sdelay $0x3  }
0x98: {  	_ =	strace s5  }
0x99: {  	s5 =	sld [smem:$0x3FFC];
	_ =	sdelay $0x3  }
0x9a: {  	_ =	strace s5  }
0x9b: {  	s5 =	sld [smem:$0x3FFD];
	_ =	sdelay $0x3  }
0x9c: {  	_ =	strace s5  }
0x9d: {  	_ =	strace $0x8FFFFFFF  }
0x9e: {  	s19 =	sld [smem:$0x3FDB];
	_ =	sdelay $0x1  }
0x9f: {  	s6 =	simm.s32 $_scs_section_size  }
0xa0: {  	s7 =	simm.s32 $_size__tile_overlayer_lowered;
	s8 =	simm.s32 $_tile_overlayer_lowered  }
0xa1: {  	s22 =	simm.s32 $0x1BFF;
	s21 =	sshll.u32 s8, $0x1;
	s5 =	sadd.s32 s6, s19  }
0xa2: {  	s9 =	simm.s32 $0x0;
	s20 =	sshll.u32 s7, $0x1;
	s7 =	sadd.s32 s21, s5  }
0xa3: {  	[timem:s9], [sflag:s22] =	dma.local [hbm:s7], s20  }
0xa4: {  	_ =	swait.ge [sflag:s22], s20  }
0xa5: {  	s6 =	ssub.s32 $0x0, s20;
	[sflag:s22] =	ssyncset.done $0x0  }
0xa6: {  	[sflag:s22] =	ssyncadd.s32 s6;
	_ =	sdelay $0x1  }
0xa7: {  	s23 =	simm.s32 $0x1B8B  }
0xa8: {  	_ =	swait.ge [sflag:s23], $0x1  }
0xa9: {  	[sflag:s23] =	ssyncset.done $0x0  }
0xaa: {  	s25 =	simm.s32 $0x1B8E;
	s24 =	sld [smem:$0x3FFE];
	[sflag:s23] =	ssyncadd.s32 $0xFFFFFFFF  }
0xab: {  	s26 =	simm.s32 $execute0_lowered;
	[smem:$0x3FD2] =	sst s25  }
0xac: {  	s7 =	sshll.u32 s26, $0x1;
	_ =	strace $0x80000046;
	[dreg:$0x1] =	wrdreg $0xFFFFFFFF  }
0xad: {  	s28 =	simm.s32 $_size_execute0_lowered;
	s5 =	sadd.s32 s5, s7;
	[dreg:$0x0] =	wrdreg $0x0  }
0xae: {  	s7 =	sshll.u32 s28, $0x1;
	[dreg:$0x2] =	wrdreg s5  }
0xaf: {  	[dreg:$0x3] =	wrdreg s7  }
0xb0: {  	[dreg:$0x4] =	wrdreg $0xC0  }
0xb1: {  	_ =	task [dreg:s9], $0x5FFFF  }
0xb2: {  	[dreg:$0x1] =	wrdreg $0xFFFFFFFF  }
0xb3: {  	[dreg:$0x0] =	wrdreg $0x60  }
0xb4: {  	[dreg:$0x2] =	wrdreg s24  }
0xb5: {  	[dreg:$0x3] =	wrdreg s17  }
0xb6: {  	[dreg:$0x4] =	wrdreg s18  }
0xb7: {  	[dreg:$0x5] =	wrdreg s16  }
0xb8: {  	[dreg:$0x6] =	wrdreg $0x9  }
0xb9: {  	_ =	task.clear_ibuf [dreg:s9], $0x7FFFF;
	_ =	strace $0x90000046  }
0xba: {  	s29 =	simm.s32 $0x9;
	_ =	strace $0x80000048  }
0xbb: {  	_ =	swait.ge [sflag:s29], $0x1  }
0xbc: {  	[sflag:s29] =	ssyncadd.s32 $0xFFFFFFFF  }
0xbd: {  	_ =	strace $0x90000048  }
0xbe: {  	_ =	sfence  }
0xbf: {  	s30 =	sld [smem:$0x0];
	_ =	sdelay $0x2  }
0xc0: {  	s31 =	sshll.u32 s1, $0xD;
	s1 =	sshrl.u32 s1, $0x2  }
0xc1: {  	s3 =	sand.u32 $0x4000, s31;
	s1 =	sadd.s32 s1, s30  }
0xc2: {  	s0 =	sor.u32 s3, s0;
	s1 =	sshll.u32 s1, $0x11  }
0xc3: {  	s0 =	sor.u32 s1, s0  }
0xc4: {  	s0 =	sadd.s32 $0x8F2B, s0  }
0xc5: {  	[sflag:s0] =	ssyncadd.remote.s32 $0x1  }
0xc6: {  	_ =	sfence.sel $0xFFFF  }
0xc7: {  	[dreg:$0x0] =	wrdreg $0xFFFFFFFF;
	(pc) =	sbr.abs _section_cstart, $3  }
0xc8: {  	[dreg:$0x1] =	wrdreg $0xFFFFFFFF  }
0xc9: {  	_ =	task.clear_ibuf [dreg:s9], $0x2FFFF;
	_ =	strace $0x9FFFFFFF  }
0xca: {  	(tm) =	ssettm $0x7FFFFFFF  }
0xcb: {  	_ =	shalt  }
tec
execute0_lowered:
.L_overlay_start_1:
0x0: {  	(tag) =	ssettag $0x1  }
0x1: {  	s0 =	rddreg [dreg:$0x0]  }
0x2: {  	s1 =	rddreg [dreg:$0x1]  }
0x3: {  	s4 =	rddreg [dreg:$0x2]  }
0x4: {  	s5 =	rddreg [dreg:$0x3]  }
0x5: {  	s2 =	srdreg.scid;
	s25 =	stileid.u32;
	s11 =	simm.s32 $0x4  }
0x6: {  	s12 =	simm.s32 $0x80;
	s13 =	simm.s32 $0x8080;
	s14 =	simm.s32 $0x880  }
0x7: {  	s15 =	simm.s32 $0x1080;
	s16 =	simm.s32 $0x1880;
	s17 =	simm.s32 $0x2080  }
0x8: {  	s18 =	simm.s32 $0x2880;
	s19 =	simm.s32 $0x3080;
	s20 =	simm.s32 $0x3880  }
0x9: {  	s21 =	simm.s32 $0x4080;
	s22 =	simm.s32 $0x4880;
	s23 =	simm.s32 $0x5080  }
0xa: {  	s24 =	simm.s32 $0x5880;
	s28 =	simm.s32 $0x7080;
	s29 =	simm.s32 $0x7880  }
0xb: {  	s30 =	simm.s32 $0x1;
	s31 =	simm.s32 $0x2;
	[dreg:$0x5] =	wrdreg s1  }
0xc: {  	s6 =	sand.u32 $0x1, s2;
	s2 =	simm.s32 $0x0;
	s3 =	sshll.u32 s25, $0x8  }
0xd: {  	s25 =	simm.s32 $0x6080;
	s7 =	sshll.u32 s6, $0x7;
	[smem:$0x7FF] =	sst s2  }
0xe: {  	s6 =	ssub.s32 $0x2, s6;
	s7 =	sor.u32 s7, s3;
	_ =	strace $0x80000047  }
0xf: {  	s3 =	sadd.s32 $0xC00, s0;
	s10 =	sshrl.u32 s6, $0x1;
	s8 =	sshll.u32 s7, $0x4  }
0x10: {  	s26 =	sshrl.u32 s7, $0x3;
	s7 =	sshll.u32 s7, $0x6;
	s10 =	ssub.s32 s6, s10  }
0x11: {  	s9 =	sadd.s32 s8, s0;
	s4 =	sadd.s32 s4, s26;
	s10 =	smax.u32 s10, $0x1  }
0x12: {  	v2 =	vlaneseq.u32;
	s26 =	simm.s32 $0x6880;
	[dreg:$0x6] =	wrdreg s4;
	s4 =	sadd.s32 s5, s7  }
0x13: {  	vm0 =	vmmov $0xffff;
	v1 =	vshrl.u32 v2, $0x3;
	s5 =	sadd.s32 $0xD00, s0;
	s9 =	sadd.s32 $0x80C00, s9;
	s0 =	simm.s32 $0x3  }
0x14: {  	v0 =	vand.u32 $0x7, v2;
	v2 =	vor.u32 $0x8, v2;
	v1 =	vmul.u32 $0x8, v1;
	s6 =	sadd.s32 $0x800, s4;
	s7 =	sadd.s32 $0x1000, s4;
	s8 =	sadd.s32 $0x1800, s4  }
.LBB2_1:
0x15: {  	s1 =	rddreg [dreg:$0x6]  }
0x16: {  	[tilespmem:s2], [sflag:$0x4] =	stream.linear.gather [hbm4b:s1+s2], $0x80, $0x38;
	[tilespmem:$0xC080] =	vst v63  }
0x17: {  	_ =	swait.ge [sflag:s11], $0x80  }
0x18: {  	[sflag:s11] =	ssyncset.done $0x0  }
0x19: {  	s1 =	rddreg [dreg:$0x5];
	[sflag:s11] =	ssyncadd.s32 $0xFFFFFF80  }
0x1a: {  	[tilespmem:s13], [sflag:$0x3] =	stream.indirect.gather [hbm4b:s1+s12], $0x80, s2, s12, $0xb8;
	[tilespmem:$0xC080] =	vst v63  }
0x1b: {  	v3 =	vld [tilespmem:$0x0];
	_ =	sdelay $0x4  }
0x1c: {  	v4 =	vshll.u32 v3, $0x2  }
0x1d: {  	v3 =	vand.u32 $0x7, v3;
	v4 =	vand.u32 $0xFFFFFFE0, v4  }
0x1e: {  	v3 =	vor.u32 v3, v4  }
0x1f: {  	v4 =	vperm.xlane v3, v0;
	_ =	sdelay $0x1  }
0x20: {  	v4 =	vadd.s32 v1, v4;
	_ =	sdelay $0x1  }
0x21: {  	v3 =	vperm.xlane v3, v2;
	_ =	sdelay $0x1  }
0x22: {  	v3 =	vadd.s32 v1, v3  }
0x23: {  	[tilespmem:s12], [sflag:$0x1] =	stream.indirect_vreg.gather [hbm4b:s3+s2], $0x80, v4, vm0, $0xb8;
	[tilespmem:$0xC080] =	vst v63  }
0x24: {  	_ = 	snop  }
0x25: {  	[tilespmem:s14], [sflag:$0x1] =	stream.indirect_vreg.gather [hbm4b:s5+s2], $0x80, v4, vm0, $0xb8;
	[tilespmem:$0xC080] =	vst v63  }
0x26: {  	_ = 	snop  }
0x27: {  	[tilespmem:s15], [sflag:$0x1] =	stream.indirect_vreg.gather [hbm4b:s3+s2], $0x80, v3, vm0, $0xb8;
	[tilespmem:$0xC080] =	vst v63  }
0x28: {  	_ = 	snop  }
0x29: {  	[tilespmem:s16], [sflag:$0x1] =	stream.indirect_vreg.gather [hbm4b:s5+s2], $0x80, v3, vm0, $0xb8;
	[tilespmem:$0xC080] =	vst v63  }
0x2a: {  	v3 =	vld [tilespmem:$0x10];
	_ =	sdelay $0x4  }
0x2b: {  	v57 =	vshll.u32 v3, $0x2  }
0x2c: {  	v3 =	vand.u32 $0x7, v3;
	v4 =	vand.u32 $0xFFFFFFE0, v57  }
0x2d: {  	v3 =	vor.u32 v3, v4  }
0x2e: {  	v4 =	vperm.xlane v3, v0;
	_ =	sdelay $0x1  }
0x2f: {  	v4 =	vadd.s32 v1, v4;
	_ =	sdelay $0x1  }
0x30: {  	v3 =	vperm.xlane v3, v2;
	_ =	sdelay $0x1  }
0x31: {  	v3 =	vadd.s32 v1, v3  }
0x32: {  	[tilespmem:s17], [sflag:$0x1] =	stream.indirect_vreg.gather [hbm4b:s3+s2], $0x80, v4, vm0, $0xb8;
	[tilespmem:$0xC080] =	vst v63  }
0x33: {  	_ = 	snop  }
0x34: {  	[tilespmem:s18], [sflag:$0x1] =	stream.indirect_vreg.gather [hbm4b:s5+s2], $0x80, v4, vm0, $0xb8;
	[tilespmem:$0xC080] =	vst v63  }
0x35: {  	_ = 	snop  }
0x36: {  	[tilespmem:s19], [sflag:$0x1] =	stream.indirect_vreg.gather [hbm4b:s3+s2], $0x80, v3, vm0, $0xb8;
	[tilespmem:$0xC080] =	vst v63  }
0x37: {  	_ = 	snop  }
0x38: {  	[tilespmem:s20], [sflag:$0x1] =	stream.indirect_vreg.gather [hbm4b:s5+s2], $0x80, v3, vm0, $0xb8;
	[tilespmem:$0xC080] =	vst v63  }
0x39: {  	v3 =	vld [tilespmem:$0x20];
	_ =	sdelay $0x4  }
0x3a: {  	v58 =	vshll.u32 v3, $0x2  }
0x3b: {  	v3 =	vand.u32 $0x7, v3;
	v4 =	vand.u32 $0xFFFFFFE0, v58  }
0x3c: {  	v3 =	vor.u32 v3, v4  }
0x3d: {  	v4 =	vperm.xlane v3, v0;
	_ =	sdelay $0x1  }
0x3e: {  	v4 =	vadd.s32 v1, v4;
	_ =	sdelay $0x1  }
0x3f: {  	v3 =	vperm.xlane v3, v2;
	_ =	sdelay $0x1  }
0x40: {  	v3 =	vadd.s32 v1, v3  }
0x41: {  	[tilespmem:s21], [sflag:$0x2] =	stream.indirect_vreg.gather [hbm4b:s3+s2], $0x80, v4, vm0, $0xb8;
	[tilespmem:$0xC080] =	vst v63  }
0x42: {  	_ = 	snop  }
0x43: {  	[tilespmem:s22], [sflag:$0x2] =	stream.indirect_vreg.gather [hbm4b:s5+s2], $0x80, v4, vm0, $0xb8;
	[tilespmem:$0xC080] =	vst v63  }
0x44: {  	_ = 	snop  }
0x45: {  	[tilespmem:s23], [sflag:$0x2] =	stream.indirect_vreg.gather [hbm4b:s3+s2], $0x80, v3, vm0, $0xb8;
	[tilespmem:$0xC080] =	vst v63  }
0x46: {  	_ = 	snop  }
0x47: {  	[tilespmem:s24], [sflag:$0x2] =	stream.indirect_vreg.gather [hbm4b:s5+s2], $0x80, v3, vm0, $0xb8;
	[tilespmem:$0xC080] =	vst v63  }
0x48: {  	v3 =	vld [tilespmem:$0x30];
	_ =	sdelay $0x4  }
0x49: {  	v59 =	vshll.u32 v3, $0x2  }
0x4a: {  	v3 =	vand.u32 $0x7, v3;
	v4 =	vand.u32 $0xFFFFFFE0, v59  }
0x4b: {  	v3 =	vor.u32 v3, v4  }
0x4c: {  	v4 =	vperm.xlane v3, v0;
	_ =	sdelay $0x1  }
0x4d: {  	v4 =	vadd.s32 v1, v4;
	_ =	sdelay $0x1  }
0x4e: {  	v3 =	vperm.xlane v3, v2;
	_ =	sdelay $0x1  }
0x4f: {  	v3 =	vadd.s32 v1, v3  }
0x50: {  	[tilespmem:s25], [sflag:$0x2] =	stream.indirect_vreg.gather [hbm4b:s3+s2], $0x80, v4, vm0, $0xb8;
	[tilespmem:$0xC080] =	vst v63  }
0x51: {  	_ = 	snop  }
0x52: {  	[tilespmem:s26], [sflag:$0x2] =	stream.indirect_vreg.gather [hbm4b:s5+s2], $0x80, v4, vm0, $0xb8;
	[tilespmem:$0xC080] =	vst v63  }
0x53: {  	_ = 	snop  }
0x54: {  	[tilespmem:s28], [sflag:$0x2] =	stream.indirect_vreg.gather [hbm4b:s3+s2], $0x80, v3, vm0, $0xb8;
	[tilespmem:$0xC080] =	vst v63  }
0x55: {  	_ = 	snop  }
0x56: {  	[tilespmem:s29], [sflag:$0x2] =	stream.indirect_vreg.gather [hbm4b:s5+s2], $0x80, v3, vm0, $0xb8;
	[tilespmem:$0xC080] =	vst v63  }
0x57: {  	_ =	swait.ge [sflag:s30], $0x4000  }
0x58: {  	[sflag:s30] =	ssyncset.done $0x0  }
0x59: {  	[sflag:s30] =	ssyncadd.s32 $0xFFFFC000  }
0x5a: {  	[hbm4b:s4+s2] =	stream.linear.scatter [tilespmem:s12], [sflag:$0x4], $0x4000, $0x38;
	[tilespmem:$0xC080] =	vst v63  }
0x5b: {  	_ =	swait.ge [sflag:s11], $0x4000  }
0x5c: {  	[sflag:s11] =	ssyncset.done $0x0  }
0x5d: {  	[sflag:s11] =	ssyncadd.s32 $0xFFFFC000  }
0x5e: {  	v3 =	vld [tilespmem:$0x40];
	_ =	sdelay $0x4  }
0x5f: {  	v60 =	vshll.u32 v3, $0x2  }
0x60: {  	v3 =	vand.u32 $0x7, v3;
	v4 =	vand.u32 $0xFFFFFFE0, v60  }
0x61: {  	v3 =	vor.u32 v3, v4  }
0x62: {  	v4 =	vperm.xlane v3, v0;
	_ =	sdelay $0x1  }
0x63: {  	v4 =	vadd.s32 v1, v4;
	_ =	sdelay $0x1  }
0x64: {  	v3 =	vperm.xlane v3, v2;
	_ =	sdelay $0x1  }
0x65: {  	v3 =	vadd.s32 v1, v3  }
0x66: {  	[tilespmem:s12], [sflag:$0x1] =	stream.indirect_vreg.gather [hbm4b:s3+s2], $0x80, v4, vm0, $0xb8;
	[tilespmem:$0xC080] =	vst v63  }
0x67: {  	_ = 	snop  }
0x68: {  	[tilespmem:s14], [sflag:$0x1] =	stream.indirect_vreg.gather [hbm4b:s5+s2], $0x80, v4, vm0, $0xb8;
	[tilespmem:$0xC080] =	vst v63  }
0x69: {  	_ = 	snop  }
0x6a: {  	[tilespmem:s15], [sflag:$0x1] =	stream.indirect_vreg.gather [hbm4b:s3+s2], $0x80, v3, vm0, $0xb8;
	[tilespmem:$0xC080] =	vst v63  }
0x6b: {  	_ = 	snop  }
0x6c: {  	[tilespmem:s16], [sflag:$0x1] =	stream.indirect_vreg.gather [hbm4b:s5+s2], $0x80, v3, vm0, $0xb8;
	[tilespmem:$0xC080] =	vst v63  }
0x6d: {  	v3 =	vld [tilespmem:$0x50];
	_ =	sdelay $0x4  }
0x6e: {  	v61 =	vshll.u32 v3, $0x2  }
0x6f: {  	v3 =	vand.u32 $0x7, v3;
	v4 =	vand.u32 $0xFFFFFFE0, v61  }
0x70: {  	v3 =	vor.u32 v3, v4  }
0x71: {  	v4 =	vperm.xlane v3, v0;
	_ =	sdelay $0x1  }
0x72: {  	v4 =	vadd.s32 v1, v4;
	_ =	sdelay $0x1  }
0x73: {  	v3 =	vperm.xlane v3, v2;
	_ =	sdelay $0x1  }
0x74: {  	v3 =	vadd.s32 v1, v3  }
0x75: {  	[tilespmem:s17], [sflag:$0x1] =	stream.indirect_vreg.gather [hbm4b:s3+s2], $0x80, v4, vm0, $0xb8;
	[tilespmem:$0xC080] =	vst v63  }
0x76: {  	_ = 	snop  }
0x77: {  	[tilespmem:s18], [sflag:$0x1] =	stream.indirect_vreg.gather [hbm4b:s5+s2], $0x80, v4, vm0, $0xb8;
	[tilespmem:$0xC080] =	vst v63  }
0x78: {  	_ = 	snop  }
0x79: {  	[tilespmem:s19], [sflag:$0x1] =	stream.indirect_vreg.gather [hbm4b:s3+s2], $0x80, v3, vm0, $0xb8;
	[tilespmem:$0xC080] =	vst v63  }
0x7a: {  	_ = 	snop  }
0x7b: {  	[tilespmem:s20], [sflag:$0x1] =	stream.indirect_vreg.gather [hbm4b:s5+s2], $0x80, v3, vm0, $0xb8;
	[tilespmem:$0xC080] =	vst v63  }
0x7c: {  	_ =	swait.ge [sflag:s31], $0x4000  }
0x7d: {  	[sflag:s31] =	ssyncset.done $0x0  }
0x7e: {  	[sflag:s31] =	ssyncadd.s32 $0xFFFFC000  }
0x7f: {  	[hbm4b:s6+s2] =	stream.linear.scatter [tilespmem:s21], [sflag:$0x4], $0x4000, $0x38;
	[tilespmem:$0xC080] =	vst v63  }
0x80: {  	_ =	swait.ge [sflag:s11], $0x4000  }
0x81: {  	[sflag:s11] =	ssyncset.done $0x0  }
0x82: {  	[sflag:s11] =	ssyncadd.s32 $0xFFFFC000  }
0x83: {  	v3 =	vld [tilespmem:$0x60];
	_ =	sdelay $0x4  }
0x84: {  	v62 =	vshll.u32 v3, $0x2  }
0x85: {  	v3 =	vand.u32 $0x7, v3;
	v4 =	vand.u32 $0xFFFFFFE0, v62  }
0x86: {  	v3 =	vor.u32 v3, v4  }
0x87: {  	v4 =	vperm.xlane v3, v0;
	_ =	sdelay $0x1  }
0x88: {  	v4 =	vadd.s32 v1, v4;
	_ =	sdelay $0x1  }
0x89: {  	v3 =	vperm.xlane v3, v2;
	_ =	sdelay $0x1  }
0x8a: {  	v3 =	vadd.s32 v1, v3  }
0x8b: {  	[tilespmem:s21], [sflag:$0x2] =	stream.indirect_vreg.gather [hbm4b:s3+s2], $0x80, v4, vm0, $0xb8;
	[tilespmem:$0xC080] =	vst v63  }
0x8c: {  	_ = 	snop  }
0x8d: {  	[tilespmem:s22], [sflag:$0x2] =	stream.indirect_vreg.gather [hbm4b:s5+s2], $0x80, v4, vm0, $0xb8;
	[tilespmem:$0xC080] =	vst v63  }
0x8e: {  	_ = 	snop  }
0x8f: {  	[tilespmem:s23], [sflag:$0x2] =	stream.indirect_vreg.gather [hbm4b:s3+s2], $0x80, v3, vm0, $0xb8;
	[tilespmem:$0xC080] =	vst v63  }
0x90: {  	_ = 	snop  }
0x91: {  	[tilespmem:s24], [sflag:$0x2] =	stream.indirect_vreg.gather [hbm4b:s5+s2], $0x80, v3, vm0, $0xb8;
	[tilespmem:$0xC080] =	vst v63  }
0x92: {  	v3 =	vld [tilespmem:$0x70];
	_ =	sdelay $0x4  }
0x93: {  	v63 =	vshll.u32 v3, $0x2  }
0x94: {  	v3 =	vand.u32 $0x7, v3;
	v4 =	vand.u32 $0xFFFFFFE0, v63  }
0x95: {  	v3 =	vor.u32 v3, v4  }
0x96: {  	v4 =	vperm.xlane v3, v0;
	_ =	sdelay $0x1  }
0x97: {  	v4 =	vadd.s32 v1, v4;
	_ =	sdelay $0x1  }
0x98: {  	v3 =	vperm.xlane v3, v2;
	_ =	sdelay $0x1  }
0x99: {  	v3 =	vadd.s32 v1, v3  }
0x9a: {  	[tilespmem:s25], [sflag:$0x2] =	stream.indirect_vreg.gather [hbm4b:s3+s2], $0x80, v4, vm0, $0xb8;
	[tilespmem:$0xC080] =	vst v63  }
0x9b: {  	_ = 	snop  }
0x9c: {  	[tilespmem:s26], [sflag:$0x2] =	stream.indirect_vreg.gather [hbm4b:s5+s2], $0x80, v4, vm0, $0xb8;
	[tilespmem:$0xC080] =	vst v63  }
0x9d: {  	_ = 	snop  }
0x9e: {  	[tilespmem:s28], [sflag:$0x2] =	stream.indirect_vreg.gather [hbm4b:s3+s2], $0x80, v3, vm0, $0xb8;
	[tilespmem:$0xC080] =	vst v63  }
0x9f: {  	_ = 	snop  }
0xa0: {  	[tilespmem:s29], [sflag:$0x2] =	stream.indirect_vreg.gather [hbm4b:s5+s2], $0x80, v3, vm0, $0xb8;
	[tilespmem:$0xC080] =	vst v63  }
0xa1: {  	_ =	swait.ge [sflag:s30], $0x4000  }
0xa2: {  	[sflag:s30] =	ssyncset.done $0x0  }
0xa3: {  	[sflag:s30] =	ssyncadd.s32 $0xFFFFC000  }
0xa4: {  	[hbm4b:s7+s2] =	stream.linear.scatter [tilespmem:s12], [sflag:$0x4], $0x4000, $0x38;
	[tilespmem:$0xC080] =	vst v63  }
0xa5: {  	_ =	swait.ge [sflag:s11], $0x4000  }
0xa6: {  	[sflag:s11] =	ssyncset.done $0x0  }
0xa7: {  	[sflag:s11] =	ssyncadd.s32 $0xFFFFC000  }
0xa8: {  	_ =	swait.ge [sflag:s31], $0x4000  }
0xa9: {  	[sflag:s31] =	ssyncset.done $0x0  }
0xaa: {  	[sflag:s31] =	ssyncadd.s32 $0xFFFFC000  }
0xab: {  	[hbm4b:s8+s2] =	stream.linear.scatter [tilespmem:s21], [sflag:$0x4], $0x4000, $0x38;
	[tilespmem:$0xC080] =	vst v63  }
0xac: {  	_ =	swait.ge [sflag:s11], $0x4000  }
0xad: {  	[sflag:s11] =	ssyncset.done $0x0  }
0xae: {  	[sflag:s11] =	ssyncadd.s32 $0xFFFFC000  }
0xaf: {  	_ =	swait.ge [sflag:s0], $0x4000  }
0xb0: {  	p0 =	sne.s32 s10, $0x1;
	[sflag:s0] =	ssyncset.done $0x0  }
.Ltmp0:
0xb1: {  	[sflag:s0] =	ssyncadd.s32 $0xFFFFC000;
	(pc) =	sbr.rel @p0 .LBB2_1-.Ltmp0, $4  }
0xb2: {  	[hbm4b:s9+s2] =	stream.linear.scatter [tilespmem:s13], [sflag:$0x4], $0x4000, $0x38;
	[tilespmem:$0xC080] =	vst v63  }
0xb3: {  	_ =	swait.ge [sflag:s11], $0x4000  }
0xb4: {  	[sflag:s11] =	ssyncset.done $0x0  }
0xb5: {  	s10 =	sadd.s32 $0xFFFFFFFF, s10;
	[sflag:s11] =	ssyncadd.s32 $0xFFFFC000  }
0xb6: {  	_ =	sfence.sel $0x180000  }
0xb7: {  	[bflag:$0x0] =	sbarrier.arrive $0xFFFF  }
0xb8: {  	_ =	strace $0x90000047  }
0xb9: {  	s0 =	stileid.u32;
	[bflag:$0x2] =	sbarrier.arrive $0xFFFF  }
0xba: {  	p0 =	sne.s32 s0, $0x0;
	s0 =	rddreg [dreg:$0x4]  }
0xbb: {  	s0 =	sadd.s32 @!p0 $0x100000, s0  }
0xbc: {  	[sflag:s0] =	ssyncadd.tile.s32 @!p0 $0x1;
	_ =	shalt  }
.Lfunc_end2:
_tile_overlayer_lowered:
.L_overlay_start_2:
0xbd: {  	(tag) =	ssettag $0x2  }
0xbe: {  	s0 =	rddreg [dreg:$0x0];
	s2 =	stileid.u32  }
0xbf: {  	s1 =	rddreg [dreg:$0x1];
	p0 =	sne.s32 s2, $0x0  }
0xc0: {  	s3 =	rddreg [dreg:$0x2];
	[bflag:$0x3] =	sbarrier.arrive $0xFFFF;
	s2 =	simm.s32 @!p0 $0x1C04  }
0xc1: {  	[timem:s3], [sflag:s2] =	dma.local @!p0 [hbm:s0], s1  }
0xc2: {  	s0 =	simm.s32 @!p0 $0x4  }
0xc3: {  	_ =	swait.ge @!p0 [sflag:s0], s1  }
0xc4: {  	s1 =	ssub.s32 @!p0 $0x0, s1;
	[sflag:s0] =	ssyncset.done @!p0 $0x0  }
0xc5: {  	[sflag:s0] =	ssyncadd.s32 @!p0 s1  }
0xc6: {  	[bflag:$0x3] =	sbarrier.arrive $0xFFFF  }
0xc7: {  	_ =	shalt  }

</sc_bundles>
